<compile_context>
chip_gen: v7x
topology: tpu7x:2x2x1
jax: 0.10.2.dev20260603
libtpu: 0.0.44.dev20260713+nightly
codegen_flags: <defaults>
</compile_context>

<pallas_src>
import functools

import jax
import jax.numpy as jnp
from jax import lax
from jax.experimental import pallas as pl
from jax.experimental.pallas import tpu as pltpu
from jax.experimental.pallas import tpu_sc as plsc

N = 10000
E = 160000
D = 128
T = 4

NC = 2
NS = 16
LANES = 128
M = 2 * E
CH0 = 54
CH1 = 104
CHMAX = 104
MPAD = NS * (CH0 + CH1) * LANES
ACC_ROWS = 10240
ZROWS = ACC_ROWS // NS

ROW_BLK = 1000


def _idx_kernel(tr_ref, out_ref):
    dst = tr_ref[0:1, :]
    typ = lax.rem(tr_ref[1:2, :], T)
    src = tr_ref[2:3, :]
    out_ref[0:1, :] = typ * N + src
    out_ref[1:2, :] = dst
    out_ref[2:3, :] = (typ + T) * N + dst
    out_ref[3:4, :] = src


def _table_kernel(x_ref, w_ref, b_ref, out_ref):
    x = x_ref[...]
    for t in range(2 * T):
        acc = lax.dot_general(x, w_ref[t], (((1,), (1,)), ((), ())),
                              preferred_element_type=jnp.float32)
        out_ref[t] = acc + b_ref[t]


def _final_kernel(x_ref, w_ref, b_ref, p_ref, out_ref):
    x = x_ref[...]
    acc = lax.dot_general(x, w_ref[...], (((1,), (1,)), ((), ())),
                          preferred_element_type=jnp.float32)
    out_ref[...] = jnp.maximum(acc + b_ref[...] + p_ref[0] + p_ref[1], 0.0)


def _sc_body(table_hbm, gidx_hbm, sidx_hbm, zeros_hbm, out_hbm,
             gidx_v, sidx_v, rows0, acc_sh, sem0):
    c = lax.axis_index("c")
    s = lax.axis_index("s")
    pltpu.sync_copy(zeros_hbm, acc_sh.at[pl.ds(s * ZROWS, ZROWS)])
    plsc.subcore_barrier()

    pltpu.sync_copy(gidx_hbm.at[c, s], gidx_v)
    pltpu.sync_copy(sidx_hbm.at[c, s], sidx_v)

    def chunk(j, carry):
        pltpu.async_copy(table_hbm.at[gidx_v.at[j]], rows0, sem0).wait()
        pltpu.sync_copy(rows0, acc_sh.at[sidx_v.at[j]], add=True)
        return carry

    nch = jnp.where(c == 0, CH0, CH1)
    lax.fori_loop(0, nch, chunk, 0)
    plsc.subcore_barrier()
    pltpu.sync_copy(acc_sh.at[pl.ds(s * ZROWS, ZROWS)],
                    out_hbm.at[c, pl.ds(s * ZROWS, ZROWS)])


@functools.cache
def _sc_messages():
    return pl.kernel(
        _sc_body,
        out_type=jax.ShapeDtypeStruct((NC, ACC_ROWS, D), jnp.float32),
        mesh=plsc.VectorSubcoreMesh(core_axis_name="c", subcore_axis_name="s",
                                    num_cores=NC, num_subcores=NS),
        scratch_types=[
            pltpu.VMEM((CHMAX, LANES), jnp.int32),
            pltpu.VMEM((CHMAX, LANES), jnp.int32),
            pltpu.VMEM((LANES, D), jnp.float32),
            pltpu.VMEM_SHARED((ACC_ROWS, D), jnp.float32),
            pltpu.SemaphoreType.DMA,
        ],
    )


def kernel(input, dependency_triples, W_self, b_self, W, b, Wp, bp):
    x = input.astype(jnp.float32)
    tr = dependency_triples.astype(jnp.int32).T

    idx4 = pl.pallas_call(
        _idx_kernel,
        grid=(E // 16000,),
        in_specs=[pl.BlockSpec((3, 16000), lambda i: (0, i))],
        out_specs=pl.BlockSpec((4, 16000), lambda i: (0, i)),
        out_shape=jax.ShapeDtypeStruct((4, E), jnp.int32),
    )(tr)

    Wc = jnp.concatenate([W, Wp], axis=0)
    bc = jnp.concatenate([b, bp], axis=0).reshape(2 * T, 1, D)

    table = pl.pallas_call(
        _table_kernel,
        grid=(N // ROW_BLK,),
        in_specs=[
            pl.BlockSpec((ROW_BLK, D), lambda i: (i, 0)),
            pl.BlockSpec((2 * T, D, D), lambda i: (0, 0, 0)),
            pl.BlockSpec((2 * T, 1, D), lambda i: (0, 0, 0)),
        ],
        out_specs=pl.BlockSpec((2 * T, ROW_BLK, D), lambda i: (0, i, 0)),
        out_shape=jax.ShapeDtypeStruct((2 * T, N, D), jnp.float32),
    )(x, Wc, bc)

    gather_all = jnp.concatenate([idx4[0], idx4[2]])
    scatter_all = jnp.concatenate([idx4[1], idx4[3]])
    scatter_all = jnp.pad(scatter_all, (0, MPAD - M), constant_values=N)
    gather_all = jnp.pad(gather_all, (0, MPAD - M))
    split = NS * CH0 * LANES
    g0 = jnp.pad(gather_all[:split].reshape(NS, CH0, LANES),
                 ((0, 0), (0, CHMAX - CH0), (0, 0)))
    g1 = gather_all[split:].reshape(NS, CH1, LANES)
    gather_all = jnp.stack([g0, g1])
    s0 = jnp.pad(scatter_all[:split].reshape(NS, CH0, LANES),
                 ((0, 0), (0, CHMAX - CH0), (0, 0)), constant_values=N)
    s1 = scatter_all[split:].reshape(NS, CH1, LANES)
    scatter_all = jnp.stack([s0, s1])
    zeros = jnp.zeros((ZROWS, D), jnp.float32)

    parts = _sc_messages()(table.reshape(2 * T * N, D), gather_all,
                           scatter_all, zeros)

    out = pl.pallas_call(
        _final_kernel,
        grid=(N // ROW_BLK,),
        in_specs=[
            pl.BlockSpec((ROW_BLK, D), lambda i: (i, 0)),
            pl.BlockSpec((D, D), lambda i: (0, 0)),
            pl.BlockSpec((1, D), lambda i: (0, 0)),
            pl.BlockSpec((NC, ROW_BLK, D), lambda i: (0, i, 0)),
        ],
        out_specs=pl.BlockSpec((ROW_BLK, D), lambda i: (i, 0)),
        out_shape=jax.ShapeDtypeStruct((N, D), jnp.float32),
    )(x, W_self, b_self.reshape(1, D), parts)
    return out

# --- scband reference (transcript-rebuilt; emitter-appended) ---
"""Pipeline reference for scband-gcnn-68178310857464 (READ-ONLY COPY).

The authoritative reference and input builder live on the scoring server;
editing this copy changes nothing except your own understanding.
"""

import jax, jax.numpy as jnp
import numpy as np

N = 10000
E = 160000
D = 128
T = 4  # len(dependency_types)


def setup_inputs(seed: int = 0) -> dict:
    key = jax.random.key(seed)
    ks = jax.random.split(key, 9)
    x = jax.random.normal(ks[0], (N, D), dtype=jnp.float32)
    triples = jax.random.randint(ks[1], (E, 3), 0, N)
    s = 1.0 / np.sqrt(D)
    W_self = jax.random.uniform(ks[2], (D, D), minval=-s, maxval=s, dtype=jnp.float32)
    b_self = jax.random.uniform(ks[3], (D,), minval=-s, maxval=s, dtype=jnp.float32)
    W = jax.random.uniform(ks[4], (T, D, D), minval=-s, maxval=s, dtype=jnp.float32)
    b = jax.random.uniform(ks[5], (T, D), minval=-s, maxval=s, dtype=jnp.float32)
    Wp = jax.random.uniform(ks[6], (T, D, D), minval=-s, maxval=s, dtype=jnp.float32)
    bp = jax.random.uniform(ks[7], (T, D), minval=-s, maxval=s, dtype=jnp.float32)
    return {"input": x, "dependency_triples": triples, "W_self": W_self, "b_self": b_self, "W": W, "b": b, "Wp": Wp, "bp": bp}


def reference(input, dependency_triples, W_self, b_self, W, b, Wp, bp):
    # triple = (dst_node, type, src_node). Column 1 is mapped to a type id via mod T
    # (the original torch module keys Linear layers by type string; here types are ints).
    dst = dependency_triples[:, 0]
    typ = dependency_triples[:, 1] % T
    src = dependency_triples[:, 2]
    # self transform applied to every node (nn.Linear: x @ W.T + b)
    out = input @ W_self.T + b_self
    # Precompute per-type linear transforms of all node features (bias included,
    # matching torch where each appended message carries the Linear bias).
    HW = jnp.einsum('nd,tkd->tnk', input, W) + b[:, None, :]    # [T, N, D]
    HWp = jnp.einsum('nd,tkd->tnk', input, Wp) + bp[:, None, :]  # [T, N, D]
    # tensor_dict[triple[0]] += W_label(h[triple[2]])
    out = out.at[dst].add(HW[typ, src])
    # tensor_dict[triple[2]] += W_labelp(h[triple[0]])
    out = out.at[src].add(HWp[typ, dst])
    return jax.nn.relu(out)

if __name__ == "__main__":
    import jax
    _d = setup_inputs()
    print(jax.jit(kernel)(*tuple(_d.values())))

</pallas_src>

<mosaic_0001>
#map = affine_map<(d0, d1) -> (0, 0)>
#map1 = affine_map<(d0, d1) -> (0, 0, 0, 0)>
#map2 = affine_map<(d0, d1) -> (0, 0, 0)>
module attributes {stable_mosaic.version = 14 : i64} {
  func.func @_sc_body(%arg0: i32, %arg1: i32, %arg2: memref<80000x128xf32, #tpu.memory_space<hbm>>, %arg3: memref<2x16x104x128xi32, #tpu.memory_space<hbm>>, %arg4: memref<2x16x104x128xi32, #tpu.memory_space<hbm>>, %arg5: memref<640x128xf32, #tpu.memory_space<hbm>>, %arg6: memref<2x10240x128xf32, #tpu.memory_space<hbm>>, %arg7: memref<104x128xi32, #tpu.memory_space<vmem>>, %arg8: memref<104x128xi32, #tpu.memory_space<vmem>>, %arg9: memref<128x128xf32, #tpu.memory_space<vmem>>, %arg10: memref<10240x128xf32, #tpu.memory_space<vmem_shared>>, %arg11: memref<!tpu.dma_semaphore, #tpu.memory_space<semaphore_mem>>) attributes {dimension_semantics = [#tpu.dimension_semantics<core_parallel>, #tpu.dimension_semantics<subcore_parallel>], iteration_bounds = array<i64: 2, 16>, scalar_prefetch = 0 : i64, scratch_operands = 5 : i64, tpu.core_type = #tpu.core_type<sc_vector_subcore>, window_params = [{transform_indices = #map}, {transform_indices = #map1}, {transform_indices = #map1}, {transform_indices = #map}, {transform_indices = #map2}]} {
    %mul3A = arith.constant 640 : i32
    %mul3A_0 = arith.muli %arg1, %mul3A : i32
    "tpu.region"() ({
      %run_scoped3A = tpu.sem_alloc : memref<!tpu.dma_semaphore, #tpu.memory_space<semaphore_mem>>
      %dma_start3A = arith.constant 0 : i32
      %dma_start3A_17 = tpu.memref_slice %arg10[%mul3A_0, %dma_start3A] : memref<10240x128xf32, #tpu.memory_space<vmem_shared>> -> memref<640x128xf32, #tpu.memory_space<vmem_shared>>
      tpu.enqueue_dma source(%arg5 : memref<640x128xf32, #tpu.memory_space<hbm>>) target(%dma_start3A_17 : memref<640x128xf32, #tpu.memory_space<vmem_shared>>) target_semaphore(%run_scoped3A : memref<!tpu.dma_semaphore, #tpu.memory_space<semaphore_mem>>)
      %dma_wait3A = arith.constant 0 : i32
      %dma_wait3A_18 = tpu.memref_slice %arg10[%mul3A_0, %dma_wait3A] : memref<10240x128xf32, #tpu.memory_space<vmem_shared>> -> memref<640x128xf32, #tpu.memory_space<vmem_shared>>
      tpu.wait_dma2 semaphore(%run_scoped3A : memref<!tpu.dma_semaphore, #tpu.memory_space<semaphore_mem>>) src(%arg5 : memref<640x128xf32, #tpu.memory_space<hbm>>) dst(%dma_wait3A_18 : memref<640x128xf32, #tpu.memory_space<vmem_shared>>)
      tpu.yield
    }) : () -> ()
    %barrier3A = arith.constant 0 : index
    tpu.barrier barrier_id(%barrier3A)
    "tpu.region"() ({
      %run_scoped3A = tpu.sem_alloc : memref<!tpu.dma_semaphore, #tpu.memory_space<semaphore_mem>>
      %dma_start3A = arith.constant 0 : i32
      %dma_start3A_17 = arith.constant 0 : i32
      %dma_start3A_18 = tpu.memref_slice %arg3[%arg0, %arg1, %dma_start3A, %dma_start3A_17] : memref<2x16x104x128xi32, #tpu.memory_space<hbm>> -> memref<1x1x104x128xi32, #tpu.memory_space<hbm>>
      %dma_start3A_19 = tpu.memref_squeeze %dma_start3A_18 : memref<1x1x104x128xi32, #tpu.memory_space<hbm>> -> memref<104x128xi32, #tpu.memory_space<hbm>>
      %dma_start3A_20 = arith.constant 0 : i32
      %dma_start3A_21 = arith.constant 0 : i32
      %dma_start3A_22 = tpu.memref_slice %arg3[%arg0, %arg1, %dma_start3A_20, %dma_start3A_21] : memref<2x16x104x128xi32, #tpu.memory_space<hbm>> -> memref<1x1x104x128xi32, #tpu.memory_space<hbm>>
      %dma_start3A_23 = tpu.memref_squeeze %dma_start3A_22 : memref<1x1x104x128xi32, #tpu.memory_space<hbm>> -> memref<104x128xi32, #tpu.memory_space<hbm>>
      tpu.enqueue_dma source(%dma_start3A_23 : memref<104x128xi32, #tpu.memory_space<hbm>>) target(%arg7 : memref<104x128xi32, #tpu.memory_space<vmem>>) target_semaphore(%run_scoped3A : memref<!tpu.dma_semaphore, #tpu.memory_space<semaphore_mem>>)
      %dma_wait3A = arith.constant 0 : i32
      %dma_wait3A_24 = arith.constant 0 : i32
      %dma_wait3A_25 = tpu.memref_slice %arg3[%arg0, %arg1, %dma_wait3A, %dma_wait3A_24] : memref<2x16x104x128xi32, #tpu.memory_space<hbm>> -> memref<1x1x104x128xi32, #tpu.memory_space<hbm>>
      %dma_wait3A_26 = tpu.memref_squeeze %dma_wait3A_25 : memref<1x1x104x128xi32, #tpu.memory_space<hbm>> -> memref<104x128xi32, #tpu.memory_space<hbm>>
      %dma_wait3A_27 = arith.constant 0 : i32
      %dma_wait3A_28 = arith.constant 0 : i32
      %dma_wait3A_29 = tpu.memref_slice %arg3[%arg0, %arg1, %dma_wait3A_27, %dma_wait3A_28] : memref<2x16x104x128xi32, #tpu.memory_space<hbm>> -> memref<1x1x104x128xi32, #tpu.memory_space<hbm>>
      %dma_wait3A_30 = tpu.memref_squeeze %dma_wait3A_29 : memref<1x1x104x128xi32, #tpu.memory_space<hbm>> -> memref<104x128xi32, #tpu.memory_space<hbm>>
      tpu.wait_dma2 semaphore(%run_scoped3A : memref<!tpu.dma_semaphore, #tpu.memory_space<semaphore_mem>>) src(%dma_wait3A_30 : memref<104x128xi32, #tpu.memory_space<hbm>>) dst(%arg7 : memref<104x128xi32, #tpu.memory_space<vmem>>)
      tpu.yield
    }) : () -> ()
    "tpu.region"() ({
      %run_scoped3A = tpu.sem_alloc : memref<!tpu.dma_semaphore, #tpu.memory_space<semaphore_mem>>
      %dma_start3A = arith.constant 0 : i32
      %dma_start3A_17 = arith.constant 0 : i32
      %dma_start3A_18 = tpu.memref_slice %arg4[%arg0, %arg1, %dma_start3A, %dma_start3A_17] : memref<2x16x104x128xi32, #tpu.memory_space<hbm>> -> memref<1x1x104x128xi32, #tpu.memory_space<hbm>>
      %dma_start3A_19 = tpu.memref_squeeze %dma_start3A_18 : memref<1x1x104x128xi32, #tpu.memory_space<hbm>> -> memref<104x128xi32, #tpu.memory_space<hbm>>
      %dma_start3A_20 = arith.constant 0 : i32
      %dma_start3A_21 = arith.constant 0 : i32
      %dma_start3A_22 = tpu.memref_slice %arg4[%arg0, %arg1, %dma_start3A_20, %dma_start3A_21] : memref<2x16x104x128xi32, #tpu.memory_space<hbm>> -> memref<1x1x104x128xi32, #tpu.memory_space<hbm>>
      %dma_start3A_23 = tpu.memref_squeeze %dma_start3A_22 : memref<1x1x104x128xi32, #tpu.memory_space<hbm>> -> memref<104x128xi32, #tpu.memory_space<hbm>>
      tpu.enqueue_dma source(%dma_start3A_23 : memref<104x128xi32, #tpu.memory_space<hbm>>) target(%arg8 : memref<104x128xi32, #tpu.memory_space<vmem>>) target_semaphore(%run_scoped3A : memref<!tpu.dma_semaphore, #tpu.memory_space<semaphore_mem>>)
      %dma_wait3A = arith.constant 0 : i32
      %dma_wait3A_24 = arith.constant 0 : i32
      %dma_wait3A_25 = tpu.memref_slice %arg4[%arg0, %arg1, %dma_wait3A, %dma_wait3A_24] : memref<2x16x104x128xi32, #tpu.memory_space<hbm>> -> memref<1x1x104x128xi32, #tpu.memory_space<hbm>>
      %dma_wait3A_26 = tpu.memref_squeeze %dma_wait3A_25 : memref<1x1x104x128xi32, #tpu.memory_space<hbm>> -> memref<104x128xi32, #tpu.memory_space<hbm>>
      %dma_wait3A_27 = arith.constant 0 : i32
      %dma_wait3A_28 = arith.constant 0 : i32
      %dma_wait3A_29 = tpu.memref_slice %arg4[%arg0, %arg1, %dma_wait3A_27, %dma_wait3A_28] : memref<2x16x104x128xi32, #tpu.memory_space<hbm>> -> memref<1x1x104x128xi32, #tpu.memory_space<hbm>>
      %dma_wait3A_30 = tpu.memref_squeeze %dma_wait3A_29 : memref<1x1x104x128xi32, #tpu.memory_space<hbm>> -> memref<104x128xi32, #tpu.memory_space<hbm>>
      tpu.wait_dma2 semaphore(%run_scoped3A : memref<!tpu.dma_semaphore, #tpu.memory_space<semaphore_mem>>) src(%dma_wait3A_30 : memref<104x128xi32, #tpu.memory_space<hbm>>) dst(%arg8 : memref<104x128xi32, #tpu.memory_space<vmem>>)
      tpu.yield
    }) : () -> ()
    %eq3A = arith.constant 0 : i32
    %eq3A_1 = arith.cmpi eq, %arg0, %eq3A : i32
    %jit3A = arith.constant 54 : i32
    %jit3A_2 = arith.constant 104 : i32
    %select_n3A = arith.select %eq3A_1, %jit3A, %jit3A_2 : i32
    %while3A = arith.constant 0 : i32
    %while3A_3 = arith.constant 0 : i32
    %while3A_4 = arith.subi %select_n3A, %while3A_3 : i32
    %while3A_5 = arith.addi %while3A_3, %while3A_4 : i32
    %while3A_6 = arith.constant 1 : i32
    %while3A_7 = arith.divsi %while3A_4, %while3A_6 : i32
    %while3A_8 = arith.muli %while3A_7, %while3A_6 : i32
    %while3A_9 = arith.addi %while3A_3, %while3A_8 : i32
    %while3A_10 = arith.constant 1 : i32
    scf.for %while3A_17 = %while3A_3 to %while3A_9 step %while3A_10  : i32 {
      %dma_start3A = arith.constant 0 : i32
      %dma_start3A_18 = tpu.memref_slice %arg7[%while3A_17, %dma_start3A] : memref<104x128xi32, #tpu.memory_space<vmem>> -> memref<1x128xi32, #tpu.memory_space<vmem>>
      %dma_start3A_19 = tpu.memref_squeeze %dma_start3A_18 : memref<1x128xi32, #tpu.memory_space<vmem>> -> memref<128xi32, #tpu.memory_space<vmem>>
      %dma_start3A_20 = arith.constant 0 : i32
      %dma_start3A_21 = arith.constant 0 : i32
      %dma_start3A_22 = tpu.memref_slice %arg2[%dma_start3A_20, %dma_start3A_21] : memref<80000x128xf32, #tpu.memory_space<hbm>> -> memref<80000x128xf32, #tpu.memory_space<hbm>>
      tpu.enqueue_indirect_dma source(%dma_start3A_22 : memref<80000x128xf32, #tpu.memory_space<hbm>>) target(%arg9 : memref<128x128xf32, #tpu.memory_space<vmem>>) offsets(%dma_start3A_19 : memref<128xi32, #tpu.memory_space<vmem>>) semaphore(%arg11 : memref<!tpu.dma_semaphore, #tpu.memory_space<semaphore_mem>>)
      %dma_wait3A = arith.constant 0 : i32
      %dma_wait3A_23 = tpu.memref_slice %arg7[%while3A_17, %dma_wait3A] : memref<104x128xi32, #tpu.memory_space<vmem>> -> memref<1x128xi32, #tpu.memory_space<vmem>>
      %dma_wait3A_24 = tpu.memref_squeeze %dma_wait3A_23 : memref<1x128xi32, #tpu.memory_space<vmem>> -> memref<128xi32, #tpu.memory_space<vmem>>
      %dma_wait3A_25 = arith.constant 0 : i32
      %dma_wait3A_26 = arith.constant 0 : i32
      %dma_wait3A_27 = tpu.memref_slice %arg2[%dma_wait3A_25, %dma_wait3A_26] : memref<80000x128xf32, #tpu.memory_space<hbm>> -> memref<80000x128xf32, #tpu.memory_space<hbm>>
      tpu.wait_indirect_dma semaphore(%arg11 : memref<!tpu.dma_semaphore, #tpu.memory_space<semaphore_mem>>) src(%dma_wait3A_27 : memref<80000x128xf32, #tpu.memory_space<hbm>>) dst(%arg9 : memref<128x128xf32, #tpu.memory_space<vmem>>)
      "tpu.region"() ({
        %run_scoped3A = tpu.sem_alloc : memref<!tpu.dma_semaphore, #tpu.memory_space<semaphore_mem>>
        %dma_start3A_28 = arith.constant 0 : i32
        %dma_start3A_29 = tpu.memref_slice %arg8[%while3A_17, %dma_start3A_28] : memref<104x128xi32, #tpu.memory_space<vmem>> -> memref<1x128xi32, #tpu.memory_space<vmem>>
        %dma_start3A_30 = tpu.memref_squeeze %dma_start3A_29 : memref<1x128xi32, #tpu.memory_space<vmem>> -> memref<128xi32, #tpu.memory_space<vmem>>
        %dma_start3A_31 = arith.constant 0 : i32
        %dma_start3A_32 = arith.constant 0 : i32
        %dma_start3A_33 = tpu.memref_slice %arg10[%dma_start3A_31, %dma_start3A_32] : memref<10240x128xf32, #tpu.memory_space<vmem_shared>> -> memref<10240x128xf32, #tpu.memory_space<vmem_shared>>
        tpu.enqueue_indirect_dma source(%arg9 : memref<128x128xf32, #tpu.memory_space<vmem>>) target(%dma_start3A_33 : memref<10240x128xf32, #tpu.memory_space<vmem_shared>>) offsets(%dma_start3A_30 : memref<128xi32, #tpu.memory_space<vmem>>) semaphore(%run_scoped3A : memref<!tpu.dma_semaphore, #tpu.memory_space<semaphore_mem>>) {add = true}
        %dma_wait3A_34 = arith.constant 0 : i32
        %dma_wait3A_35 = tpu.memref_slice %arg8[%while3A_17, %dma_wait3A_34] : memref<104x128xi32, #tpu.memory_space<vmem>> -> memref<1x128xi32, #tpu.memory_space<vmem>>
        %dma_wait3A_36 = tpu.memref_squeeze %dma_wait3A_35 : memref<1x128xi32, #tpu.memory_space<vmem>> -> memref<128xi32, #tpu.memory_space<vmem>>
        %dma_wait3A_37 = arith.constant 0 : i32
        %dma_wait3A_38 = arith.constant 0 : i32
        %dma_wait3A_39 = tpu.memref_slice %arg10[%dma_wait3A_37, %dma_wait3A_38] : memref<10240x128xf32, #tpu.memory_space<vmem_shared>> -> memref<10240x128xf32, #tpu.memory_space<vmem_shared>>
        tpu.wait_indirect_dma semaphore(%run_scoped3A : memref<!tpu.dma_semaphore, #tpu.memory_space<semaphore_mem>>) src(%arg9 : memref<128x128xf32, #tpu.memory_space<vmem>>) dst(%dma_wait3A_39 : memref<10240x128xf32, #tpu.memory_space<vmem_shared>>)
        tpu.yield
      }) : () -> ()
    }
    %while3A_11 = arith.constant 1 : i32
    scf.for %while3A_17 = %while3A_9 to %while3A_5 step %while3A_11  : i32 {
      %dma_start3A = arith.constant 0 : i32
      %dma_start3A_18 = tpu.memref_slice %arg7[%while3A_17, %dma_start3A] : memref<104x128xi32, #tpu.memory_space<vmem>> -> memref<1x128xi32, #tpu.memory_space<vmem>>
      %dma_start3A_19 = tpu.memref_squeeze %dma_start3A_18 : memref<1x128xi32, #tpu.memory_space<vmem>> -> memref<128xi32, #tpu.memory_space<vmem>>
      %dma_start3A_20 = arith.constant 0 : i32
      %dma_start3A_21 = arith.constant 0 : i32
      %dma_start3A_22 = tpu.memref_slice %arg2[%dma_start3A_20, %dma_start3A_21] : memref<80000x128xf32, #tpu.memory_space<hbm>> -> memref<80000x128xf32, #tpu.memory_space<hbm>>
      tpu.enqueue_indirect_dma source(%dma_start3A_22 : memref<80000x128xf32, #tpu.memory_space<hbm>>) target(%arg9 : memref<128x128xf32, #tpu.memory_space<vmem>>) offsets(%dma_start3A_19 : memref<128xi32, #tpu.memory_space<vmem>>) semaphore(%arg11 : memref<!tpu.dma_semaphore, #tpu.memory_space<semaphore_mem>>)
      %dma_wait3A = arith.constant 0 : i32
      %dma_wait3A_23 = tpu.memref_slice %arg7[%while3A_17, %dma_wait3A] : memref<104x128xi32, #tpu.memory_space<vmem>> -> memref<1x128xi32, #tpu.memory_space<vmem>>
      %dma_wait3A_24 = tpu.memref_squeeze %dma_wait3A_23 : memref<1x128xi32, #tpu.memory_space<vmem>> -> memref<128xi32, #tpu.memory_space<vmem>>
      %dma_wait3A_25 = arith.constant 0 : i32
      %dma_wait3A_26 = arith.constant 0 : i32
      %dma_wait3A_27 = tpu.memref_slice %arg2[%dma_wait3A_25, %dma_wait3A_26] : memref<80000x128xf32, #tpu.memory_space<hbm>> -> memref<80000x128xf32, #tpu.memory_space<hbm>>
      tpu.wait_indirect_dma semaphore(%arg11 : memref<!tpu.dma_semaphore, #tpu.memory_space<semaphore_mem>>) src(%dma_wait3A_27 : memref<80000x128xf32, #tpu.memory_space<hbm>>) dst(%arg9 : memref<128x128xf32, #tpu.memory_space<vmem>>)
      "tpu.region"() ({
        %run_scoped3A = tpu.sem_alloc : memref<!tpu.dma_semaphore, #tpu.memory_space<semaphore_mem>>
        %dma_start3A_28 = arith.constant 0 : i32
        %dma_start3A_29 = tpu.memref_slice %arg8[%while3A_17, %dma_start3A_28] : memref<104x128xi32, #tpu.memory_space<vmem>> -> memref<1x128xi32, #tpu.memory_space<vmem>>
        %dma_start3A_30 = tpu.memref_squeeze %dma_start3A_29 : memref<1x128xi32, #tpu.memory_space<vmem>> -> memref<128xi32, #tpu.memory_space<vmem>>
        %dma_start3A_31 = arith.constant 0 : i32
        %dma_start3A_32 = arith.constant 0 : i32
        %dma_start3A_33 = tpu.memref_slice %arg10[%dma_start3A_31, %dma_start3A_32] : memref<10240x128xf32, #tpu.memory_space<vmem_shared>> -> memref<10240x128xf32, #tpu.memory_space<vmem_shared>>
        tpu.enqueue_indirect_dma source(%arg9 : memref<128x128xf32, #tpu.memory_space<vmem>>) target(%dma_start3A_33 : memref<10240x128xf32, #tpu.memory_space<vmem_shared>>) offsets(%dma_start3A_30 : memref<128xi32, #tpu.memory_space<vmem>>) semaphore(%run_scoped3A : memref<!tpu.dma_semaphore, #tpu.memory_space<semaphore_mem>>) {add = true}
        %dma_wait3A_34 = arith.constant 0 : i32
        %dma_wait3A_35 = tpu.memref_slice %arg8[%while3A_17, %dma_wait3A_34] : memref<104x128xi32, #tpu.memory_space<vmem>> -> memref<1x128xi32, #tpu.memory_space<vmem>>
        %dma_wait3A_36 = tpu.memref_squeeze %dma_wait3A_35 : memref<1x128xi32, #tpu.memory_space<vmem>> -> memref<128xi32, #tpu.memory_space<vmem>>
        %dma_wait3A_37 = arith.constant 0 : i32
        %dma_wait3A_38 = arith.constant 0 : i32
        %dma_wait3A_39 = tpu.memref_slice %arg10[%dma_wait3A_37, %dma_wait3A_38] : memref<10240x128xf32, #tpu.memory_space<vmem_shared>> -> memref<10240x128xf32, #tpu.memory_space<vmem_shared>>
        tpu.wait_indirect_dma semaphore(%run_scoped3A : memref<!tpu.dma_semaphore, #tpu.memory_space<semaphore_mem>>) src(%arg9 : memref<128x128xf32, #tpu.memory_space<vmem>>) dst(%dma_wait3A_39 : memref<10240x128xf32, #tpu.memory_space<vmem_shared>>)
        tpu.yield
      }) : () -> ()
    }
    %barrier3A_12 = arith.constant 0 : index
    tpu.barrier barrier_id(%barrier3A_12)
    %mul3A_13 = arith.constant 640 : i32
    %mul3A_14 = arith.muli %arg1, %mul3A_13 : i32
    %mul3A_15 = arith.constant 640 : i32
    %mul3A_16 = arith.muli %arg1, %mul3A_15 : i32
    "tpu.region"() ({
      %run_scoped3A = tpu.sem_alloc : memref<!tpu.dma_semaphore, #tpu.memory_space<semaphore_mem>>
      %dma_start3A = arith.constant 0 : i32
      %dma_start3A_17 = tpu.memref_slice %arg6[%arg0, %mul3A_16, %dma_start3A] : memref<2x10240x128xf32, #tpu.memory_space<hbm>> -> memref<1x640x128xf32, #tpu.memory_space<hbm>>
      %dma_start3A_18 = tpu.memref_squeeze %dma_start3A_17 : memref<1x640x128xf32, #tpu.memory_space<hbm>> -> memref<640x128xf32, #tpu.memory_space<hbm>>
      %dma_start3A_19 = arith.constant 0 : i32
      %dma_start3A_20 = tpu.memref_slice %arg10[%mul3A_14, %dma_start3A_19] : memref<10240x128xf32, #tpu.memory_space<vmem_shared>> -> memref<640x128xf32, #tpu.memory_space<vmem_shared>>
      tpu.enqueue_dma source(%dma_start3A_20 : memref<640x128xf32, #tpu.memory_space<vmem_shared>>) target(%dma_start3A_18 : memref<640x128xf32, #tpu.memory_space<hbm>>) target_semaphore(%run_scoped3A : memref<!tpu.dma_semaphore, #tpu.memory_space<semaphore_mem>>)
      %dma_wait3A = arith.constant 0 : i32
      %dma_wait3A_21 = tpu.memref_slice %arg6[%arg0, %mul3A_16, %dma_wait3A] : memref<2x10240x128xf32, #tpu.memory_space<hbm>> -> memref<1x640x128xf32, #tpu.memory_space<hbm>>
      %dma_wait3A_22 = tpu.memref_squeeze %dma_wait3A_21 : memref<1x640x128xf32, #tpu.memory_space<hbm>> -> memref<640x128xf32, #tpu.memory_space<hbm>>
      %dma_wait3A_23 = arith.constant 0 : i32
      %dma_wait3A_24 = tpu.memref_slice %arg10[%mul3A_14, %dma_wait3A_23] : memref<10240x128xf32, #tpu.memory_space<vmem_shared>> -> memref<640x128xf32, #tpu.memory_space<vmem_shared>>
      tpu.wait_dma2 semaphore(%run_scoped3A : memref<!tpu.dma_semaphore, #tpu.memory_space<semaphore_mem>>) src(%dma_wait3A_24 : memref<640x128xf32, #tpu.memory_space<vmem_shared>>) dst(%dma_wait3A_22 : memref<640x128xf32, #tpu.memory_space<hbm>>)
      tpu.yield
    }) : () -> ()
    return
  }
}

module attributes {stable_mosaic.version = 14 : i64} {
  func.func @_idx_kernel(%arg0: i32, %arg1: memref<3x16000xi32, #tpu.memory_space<vmem>>, %arg2: memref<4x16000xi32, #tpu.memory_space<vmem>>) attributes {dimension_semantics = [#tpu.dimension_semantics<arbitrary>], iteration_bounds = array<i64: 10>, scalar_prefetch = 0 : i64, scratch_operands = 0 : i64, tpu.core_type = #tpu.core_type<tc>, window_params = [{transform_indices = @transform_0, window_bounds = array<i64: 3, 16000>}, {transform_indices = @transform_1, window_bounds = array<i64: 4, 16000>}]} {
    %get3A = arith.constant 0 : index
    %get3A_0 = arith.constant 0 : index
    %get3A_1 = vector.load %arg1[%get3A, %get3A_0] : memref<3x16000xi32, #tpu.memory_space<vmem>>, vector<1x16000xi32>
    %get3A_2 = arith.constant 1 : index
    %get3A_3 = arith.constant 0 : index
    %get3A_4 = vector.load %arg1[%get3A_2, %get3A_3] : memref<3x16000xi32, #tpu.memory_space<vmem>>, vector<1x16000xi32>
    %rem3A = arith.constant 4 : i32
    %rem3A_5 = vector.broadcast %rem3A : i32 to vector<1x16000xi32>
    %rem3A_6 = arith.remsi %get3A_4, %rem3A_5 : vector<1x16000xi32>
    %get3A_7 = arith.constant 2 : index
    %get3A_8 = arith.constant 0 : index
    %get3A_9 = vector.load %arg1[%get3A_7, %get3A_8] : memref<3x16000xi32, #tpu.memory_space<vmem>>, vector<1x16000xi32>
    %mul3A = arith.constant 10000 : i32
    %mul3A_10 = vector.broadcast %mul3A : i32 to vector<1x16000xi32>
    %mul3A_11 = arith.muli %rem3A_6, %mul3A_10 : vector<1x16000xi32>
    %add3A = arith.addi %mul3A_11, %get3A_9 : vector<1x16000xi32>
    %swap3A = arith.constant 0 : index
    %swap3A_12 = arith.constant 0 : index
    %swap3A_13 = vector.load %arg2[%swap3A, %swap3A_12] : memref<4x16000xi32, #tpu.memory_space<vmem>>, vector<1x16000xi32>
    tpu.vector_store %arg2[%swap3A, %swap3A_12], %add3A {strides = array<i32>} : memref<4x16000xi32, #tpu.memory_space<vmem>>, vector<1x16000xi32>,
    %swap3A_14 = arith.constant 1 : index
    %swap3A_15 = arith.constant 0 : index
    %swap3A_16 = vector.load %arg2[%swap3A_14, %swap3A_15] : memref<4x16000xi32, #tpu.memory_space<vmem>>, vector<1x16000xi32>
    tpu.vector_store %arg2[%swap3A_14, %swap3A_15], %get3A_1 {strides = array<i32>} : memref<4x16000xi32, #tpu.memory_space<vmem>>, vector<1x16000xi32>,
    %add3A_17 = arith.constant 4 : i32
    %add3A_18 = vector.broadcast %add3A_17 : i32 to vector<1x16000xi32>
    %add3A_19 = arith.addi %rem3A_6, %add3A_18 : vector<1x16000xi32>
    %mul3A_20 = arith.constant 10000 : i32
    %mul3A_21 = vector.broadcast %mul3A_20 : i32 to vector<1x16000xi32>
    %mul3A_22 = arith.muli %add3A_19, %mul3A_21 : vector<1x16000xi32>
    %add3A_23 = arith.addi %mul3A_22, %get3A_1 : vector<1x16000xi32>
    %swap3A_24 = arith.constant 2 : index
    %swap3A_25 = arith.constant 0 : index
    %swap3A_26 = vector.load %arg2[%swap3A_24, %swap3A_25] : memref<4x16000xi32, #tpu.memory_space<vmem>>, vector<1x16000xi32>
    tpu.vector_store %arg2[%swap3A_24, %swap3A_25], %add3A_23 {strides = array<i32>} : memref<4x16000xi32, #tpu.memory_space<vmem>>, vector<1x16000xi32>,
    %swap3A_27 = arith.constant 3 : index
    %swap3A_28 = arith.constant 0 : index
    %swap3A_29 = vector.load %arg2[%swap3A_27, %swap3A_28] : memref<4x16000xi32, #tpu.memory_space<vmem>>, vector<1x16000xi32>
    tpu.vector_store %arg2[%swap3A_27, %swap3A_28], %get3A_9 {strides = array<i32>} : memref<4x16000xi32, #tpu.memory_space<vmem>>, vector<1x16000xi32>,
    return
  }
  func.func @transform_0(%arg0: i32) -> (i32, i32) {
    %c0_i32 = arith.constant 0 : i32
    %c0_i32_0 = arith.constant 0 : i32
    return %c0_i32, %arg0 : i32, i32
  }
  func.func @transform_1(%arg0: i32) -> (i32, i32) {
    %c0_i32 = arith.constant 0 : i32
    %c0_i32_0 = arith.constant 0 : i32
    return %c0_i32, %arg0 : i32, i32
  }
}

module attributes {stable_mosaic.version = 14 : i64} {
  func.func @_table_kernel(%arg0: i32, %arg1: memref<1000x128xf32, #tpu.memory_space<vmem>>, %arg2: memref<8x128x128xf32, #tpu.memory_space<vmem>>, %arg3: memref<8x1x128xf32, #tpu.memory_space<vmem>>, %arg4: memref<8x1000x128xf32, #tpu.memory_space<vmem>>) attributes {dimension_semantics = [#tpu.dimension_semantics<arbitrary>], iteration_bounds = array<i64: 10>, scalar_prefetch = 0 : i64, scratch_operands = 0 : i64, tpu.core_type = #tpu.core_type<tc>, window_params = [{transform_indices = @transform_0, window_bounds = array<i64: 1000, 128>}, {pipeline_mode = #tpu.pipeline_mode<synchronous>, transform_indices = @transform_1, window_bounds = array<i64: 8, 128, 128>}, {pipeline_mode = #tpu.pipeline_mode<synchronous>, transform_indices = @transform_2, window_bounds = array<i64: 8, 1, 128>}, {transform_indices = @transform_3, window_bounds = array<i64: 8, 1000, 128>}]} {
    %get3A = arith.constant 0 : index
    %get3A_0 = arith.constant 0 : index
    %get3A_1 = vector.load %arg1[%get3A, %get3A_0] : memref<1000x128xf32, #tpu.memory_space<vmem>>, vector<1000x128xf32>
    %get3A_2 = arith.constant 0 : index
    %get3A_3 = arith.constant 0 : index
    %get3A_4 = arith.constant 0 : index
    %get3A_5 = vector.load %arg2[%get3A_2, %get3A_3, %get3A_4] : memref<8x128x128xf32, #tpu.memory_space<vmem>>, vector<1x128x128xf32>
    %get3A_6 = vector.shape_cast %get3A_5 : vector<1x128x128xf32> to vector<128x128xf32>
    %dot_general3A = arith.constant dense<0.000000e+00> : vector<1000x128xf32>
    %dot_general3A_7 = tpu.matmul %get3A_1, %get3A_6, %dot_general3A {dimension_numbers = #tpu.dot_dimension_numbers<[1], [1], [0], [0], [0, 0, 1, 0], [], []>, transpose_lhs_hint = false} : vector<1000x128xf32>, vector<128x128xf32>, vector<1000x128xf32> -> vector<1000x128xf32>
    %get3A_8 = arith.constant 0 : index
    %get3A_9 = arith.constant 0 : index
    %get3A_10 = arith.constant 0 : index
    %get3A_11 = vector.load %arg3[%get3A_8, %get3A_9, %get3A_10] : memref<8x1x128xf32, #tpu.memory_space<vmem>>, vector<1x1x128xf32>
    %get3A_12 = vector.shape_cast %get3A_11 : vector<1x1x128xf32> to vector<1x128xf32>
    %add3A = vector.broadcast %get3A_12 : vector<1x128xf32> to vector<1000x128xf32>
    %add3A_13 = arith.addf %dot_general3A_7, %add3A : vector<1000x128xf32>
    %swap3A = arith.constant 0 : index
    %swap3A_14 = arith.constant 0 : index
    %swap3A_15 = arith.constant 0 : index
    %swap3A_16 = vector.load %arg4[%swap3A, %swap3A_14, %swap3A_15] : memref<8x1000x128xf32, #tpu.memory_space<vmem>>, vector<1x1000x128xf32>
    %swap3A_17 = vector.shape_cast %swap3A_16 : vector<1x1000x128xf32> to vector<1000x128xf32>
    %swap3A_18 = vector.shape_cast %add3A_13 : vector<1000x128xf32> to vector<1x1000x128xf32>
    tpu.vector_store %arg4[%swap3A, %swap3A_14, %swap3A_15], %swap3A_18 {strides = array<i32>} : memref<8x1000x128xf32, #tpu.memory_space<vmem>>, vector<1x1000x128xf32>,
    %get3A_19 = arith.constant 1 : index
    %get3A_20 = arith.constant 0 : index
    %get3A_21 = arith.constant 0 : index
    %get3A_22 = vector.load %arg2[%get3A_19, %get3A_20, %get3A_21] : memref<8x128x128xf32, #tpu.memory_space<vmem>>, vector<1x128x128xf32>
    %get3A_23 = vector.shape_cast %get3A_22 : vector<1x128x128xf32> to vector<128x128xf32>
    %dot_general3A_24 = arith.constant dense<0.000000e+00> : vector<1000x128xf32>
    %dot_general3A_25 = tpu.matmul %get3A_1, %get3A_23, %dot_general3A_24 {dimension_numbers = #tpu.dot_dimension_numbers<[1], [1], [0], [0], [0, 0, 1, 0], [], []>, transpose_lhs_hint = false} : vector<1000x128xf32>, vector<128x128xf32>, vector<1000x128xf32> -> vector<1000x128xf32>
    %get3A_26 = arith.constant 1 : index
    %get3A_27 = arith.constant 0 : index
    %get3A_28 = arith.constant 0 : index
    %get3A_29 = vector.load %arg3[%get3A_26, %get3A_27, %get3A_28] : memref<8x1x128xf32, #tpu.memory_space<vmem>>, vector<1x1x128xf32>
    %get3A_30 = vector.shape_cast %get3A_29 : vector<1x1x128xf32> to vector<1x128xf32>
    %add3A_31 = vector.broadcast %get3A_30 : vector<1x128xf32> to vector<1000x128xf32>
    %add3A_32 = arith.addf %dot_general3A_25, %add3A_31 : vector<1000x128xf32>
    %swap3A_33 = arith.constant 1 : index
    %swap3A_34 = arith.constant 0 : index
    %swap3A_35 = arith.constant 0 : index
    %swap3A_36 = vector.load %arg4[%swap3A_33, %swap3A_34, %swap3A_35] : memref<8x1000x128xf32, #tpu.memory_space<vmem>>, vector<1x1000x128xf32>
    %swap3A_37 = vector.shape_cast %swap3A_36 : vector<1x1000x128xf32> to vector<1000x128xf32>
    %swap3A_38 = vector.shape_cast %add3A_32 : vector<1000x128xf32> to vector<1x1000x128xf32>
    tpu.vector_store %arg4[%swap3A_33, %swap3A_34, %swap3A_35], %swap3A_38 {strides = array<i32>} : memref<8x1000x128xf32, #tpu.memory_space<vmem>>, vector<1x1000x128xf32>,
    %get3A_39 = arith.constant 2 : index
    %get3A_40 = arith.constant 0 : index
    %get3A_41 = arith.constant 0 : index
    %get3A_42 = vector.load %arg2[%get3A_39, %get3A_40, %get3A_41] : memref<8x128x128xf32, #tpu.memory_space<vmem>>, vector<1x128x128xf32>
    %get3A_43 = vector.shape_cast %get3A_42 : vector<1x128x128xf32> to vector<128x128xf32>
    %dot_general3A_44 = arith.constant dense<0.000000e+00> : vector<1000x128xf32>
    %dot_general3A_45 = tpu.matmul %get3A_1, %get3A_43, %dot_general3A_44 {dimension_numbers = #tpu.dot_dimension_numbers<[1], [1], [0], [0], [0, 0, 1, 0], [], []>, transpose_lhs_hint = false} : vector<1000x128xf32>, vector<128x128xf32>, vector<1000x128xf32> -> vector<1000x128xf32>
    %get3A_46 = arith.constant 2 : index
    %get3A_47 = arith.constant 0 : index
    %get3A_48 = arith.constant 0 : index
    %get3A_49 = vector.load %arg3[%get3A_46, %get3A_47, %get3A_48] : memref<8x1x128xf32, #tpu.memory_space<vmem>>, vector<1x1x128xf32>
    %get3A_50 = vector.shape_cast %get3A_49 : vector<1x1x128xf32> to vector<1x128xf32>
    %add3A_51 = vector.broadcast %get3A_50 : vector<1x128xf32> to vector<1000x128xf32>
    %add3A_52 = arith.addf %dot_general3A_45, %add3A_51 : vector<1000x128xf32>
    %swap3A_53 = arith.constant 2 : index
    %swap3A_54 = arith.constant 0 : index
    %swap3A_55 = arith.constant 0 : index
    %swap3A_56 = vector.load %arg4[%swap3A_53, %swap3A_54, %swap3A_55] : memref<8x1000x128xf32, #tpu.memory_space<vmem>>, vector<1x1000x128xf32>
    %swap3A_57 = vector.shape_cast %swap3A_56 : vector<1x1000x128xf32> to vector<1000x128xf32>
    %swap3A_58 = vector.shape_cast %add3A_52 : vector<1000x128xf32> to vector<1x1000x128xf32>
    tpu.vector_store %arg4[%swap3A_53, %swap3A_54, %swap3A_55], %swap3A_58 {strides = array<i32>} : memref<8x1000x128xf32, #tpu.memory_space<vmem>>, vector<1x1000x128xf32>,
    %get3A_59 = arith.constant 3 : index
    %get3A_60 = arith.constant 0 : index
    %get3A_61 = arith.constant 0 : index
    %get3A_62 = vector.load %arg2[%get3A_59, %get3A_60, %get3A_61] : memref<8x128x128xf32, #tpu.memory_space<vmem>>, vector<1x128x128xf32>
    %get3A_63 = vector.shape_cast %get3A_62 : vector<1x128x128xf32> to vector<128x128xf32>
    %dot_general3A_64 = arith.constant dense<0.000000e+00> : vector<1000x128xf32>
    %dot_general3A_65 = tpu.matmul %get3A_1, %get3A_63, %dot_general3A_64 {dimension_numbers = #tpu.dot_dimension_numbers<[1], [1], [0], [0], [0, 0, 1, 0], [], []>, transpose_lhs_hint = false} : vector<1000x128xf32>, vector<128x128xf32>, vector<1000x128xf32> -> vector<1000x128xf32>
    %get3A_66 = arith.constant 3 : index
    %get3A_67 = arith.constant 0 : index
    %get3A_68 = arith.constant 0 : index
    %get3A_69 = vector.load %arg3[%get3A_66, %get3A_67, %get3A_68] : memref<8x1x128xf32, #tpu.memory_space<vmem>>, vector<1x1x128xf32>
    %get3A_70 = vector.shape_cast %get3A_69 : vector<1x1x128xf32> to vector<1x128xf32>
    %add3A_71 = vector.broadcast %get3A_70 : vector<1x128xf32> to vector<1000x128xf32>
    %add3A_72 = arith.addf %dot_general3A_65, %add3A_71 : vector<1000x128xf32>
    %swap3A_73 = arith.constant 3 : index
    %swap3A_74 = arith.constant 0 : index
    %swap3A_75 = arith.constant 0 : index
    %swap3A_76 = vector.load %arg4[%swap3A_73, %swap3A_74, %swap3A_75] : memref<8x1000x128xf32, #tpu.memory_space<vmem>>, vector<1x1000x128xf32>
    %swap3A_77 = vector.shape_cast %swap3A_76 : vector<1x1000x128xf32> to vector<1000x128xf32>
    %swap3A_78 = vector.shape_cast %add3A_72 : vector<1000x128xf32> to vector<1x1000x128xf32>
    tpu.vector_store %arg4[%swap3A_73, %swap3A_74, %swap3A_75], %swap3A_78 {strides = array<i32>} : memref<8x1000x128xf32, #tpu.memory_space<vmem>>, vector<1x1000x128xf32>,
    %get3A_79 = arith.constant 4 : index
    %get3A_80 = arith.constant 0 : index
    %get3A_81 = arith.constant 0 : index
    %get3A_82 = vector.load %arg2[%get3A_79, %get3A_80, %get3A_81] : memref<8x128x128xf32, #tpu.memory_space<vmem>>, vector<1x128x128xf32>
    %get3A_83 = vector.shape_cast %get3A_82 : vector<1x128x128xf32> to vector<128x128xf32>
    %dot_general3A_84 = arith.constant dense<0.000000e+00> : vector<1000x128xf32>
    %dot_general3A_85 = tpu.matmul %get3A_1, %get3A_83, %dot_general3A_84 {dimension_numbers = #tpu.dot_dimension_numbers<[1], [1], [0], [0], [0, 0, 1, 0], [], []>, transpose_lhs_hint = false} : vector<1000x128xf32>, vector<128x128xf32>, vector<1000x128xf32> -> vector<1000x128xf32>
    %get3A_86 = arith.constant 4 : index
    %get3A_87 = arith.constant 0 : index
    %get3A_88 = arith.constant 0 : index
    %get3A_89 = vector.load %arg3[%get3A_86, %get3A_87, %get3A_88] : memref<8x1x128xf32, #tpu.memory_space<vmem>>, vector<1x1x128xf32>
    %get3A_90 = vector.shape_cast %get3A_89 : vector<1x1x128xf32> to vector<1x128xf32>
    %add3A_91 = vector.broadcast %get3A_90 : vector<1x128xf32> to vector<1000x128xf32>
    %add3A_92 = arith.addf %dot_general3A_85, %add3A_91 : vector<1000x128xf32>
    %swap3A_93 = arith.constant 4 : index
    %swap3A_94 = arith.constant 0 : index
    %swap3A_95 = arith.constant 0 : index
    %swap3A_96 = vector.load %arg4[%swap3A_93, %swap3A_94, %swap3A_95] : memref<8x1000x128xf32, #tpu.memory_space<vmem>>, vector<1x1000x128xf32>
    %swap3A_97 = vector.shape_cast %swap3A_96 : vector<1x1000x128xf32> to vector<1000x128xf32>
    %swap3A_98 = vector.shape_cast %add3A_92 : vector<1000x128xf32> to vector<1x1000x128xf32>
    tpu.vector_store %arg4[%swap3A_93, %swap3A_94, %swap3A_95], %swap3A_98 {strides = array<i32>} : memref<8x1000x128xf32, #tpu.memory_space<vmem>>, vector<1x1000x128xf32>,
    %get3A_99 = arith.constant 5 : index
    %get3A_100 = arith.constant 0 : index
    %get3A_101 = arith.constant 0 : index
    %get3A_102 = vector.load %arg2[%get3A_99, %get3A_100, %get3A_101] : memref<8x128x128xf32, #tpu.memory_space<vmem>>, vector<1x128x128xf32>
    %get3A_103 = vector.shape_cast %get3A_102 : vector<1x128x128xf32> to vector<128x128xf32>
    %dot_general3A_104 = arith.constant dense<0.000000e+00> : vector<1000x128xf32>
    %dot_general3A_105 = tpu.matmul %get3A_1, %get3A_103, %dot_general3A_104 {dimension_numbers = #tpu.dot_dimension_numbers<[1], [1], [0], [0], [0, 0, 1, 0], [], []>, transpose_lhs_hint = false} : vector<1000x128xf32>, vector<128x128xf32>, vector<1000x128xf32> -> vector<1000x128xf32>
    %get3A_106 = arith.constant 5 : index
    %get3A_107 = arith.constant 0 : index
    %get3A_108 = arith.constant 0 : index
    %get3A_109 = vector.load %arg3[%get3A_106, %get3A_107, %get3A_108] : memref<8x1x128xf32, #tpu.memory_space<vmem>>, vector<1x1x128xf32>
    %get3A_110 = vector.shape_cast %get3A_109 : vector<1x1x128xf32> to vector<1x128xf32>
    %add3A_111 = vector.broadcast %get3A_110 : vector<1x128xf32> to vector<1000x128xf32>
    %add3A_112 = arith.addf %dot_general3A_105, %add3A_111 : vector<1000x128xf32>
    %swap3A_113 = arith.constant 5 : index
    %swap3A_114 = arith.constant 0 : index
    %swap3A_115 = arith.constant 0 : index
    %swap3A_116 = vector.load %arg4[%swap3A_113, %swap3A_114, %swap3A_115] : memref<8x1000x128xf32, #tpu.memory_space<vmem>>, vector<1x1000x128xf32>
    %swap3A_117 = vector.shape_cast %swap3A_116 : vector<1x1000x128xf32> to vector<1000x128xf32>
    %swap3A_118 = vector.shape_cast %add3A_112 : vector<1000x128xf32> to vector<1x1000x128xf32>
    tpu.vector_store %arg4[%swap3A_113, %swap3A_114, %swap3A_115], %swap3A_118 {strides = array<i32>} : memref<8x1000x128xf32, #tpu.memory_space<vmem>>, vector<1x1000x128xf32>,
    %get3A_119 = arith.constant 6 : index
    %get3A_120 = arith.constant 0 : index
    %get3A_121 = arith.constant 0 : index
    %get3A_122 = vector.load %arg2[%get3A_119, %get3A_120, %get3A_121] : memref<8x128x128xf32, #tpu.memory_space<vmem>>, vector<1x128x128xf32>
    %get3A_123 = vector.shape_cast %get3A_122 : vector<1x128x128xf32> to vector<128x128xf32>
    %dot_general3A_124 = arith.constant dense<0.000000e+00> : vector<1000x128xf32>
    %dot_general3A_125 = tpu.matmul %get3A_1, %get3A_123, %dot_general3A_124 {dimension_numbers = #tpu.dot_dimension_numbers<[1], [1], [0], [0], [0, 0, 1, 0], [], []>, transpose_lhs_hint = false} : vector<1000x128xf32>, vector<128x128xf32>, vector<1000x128xf32> -> vector<1000x128xf32>
    %get3A_126 = arith.constant 6 : index
    %get3A_127 = arith.constant 0 : index
    %get3A_128 = arith.constant 0 : index
    %get3A_129 = vector.load %arg3[%get3A_126, %get3A_127, %get3A_128] : memref<8x1x128xf32, #tpu.memory_space<vmem>>, vector<1x1x128xf32>
    %get3A_130 = vector.shape_cast %get3A_129 : vector<1x1x128xf32> to vector<1x128xf32>
    %add3A_131 = vector.broadcast %get3A_130 : vector<1x128xf32> to vector<1000x128xf32>
    %add3A_132 = arith.addf %dot_general3A_125, %add3A_131 : vector<1000x128xf32>
    %swap3A_133 = arith.constant 6 : index
    %swap3A_134 = arith.constant 0 : index
    %swap3A_135 = arith.constant 0 : index
    %swap3A_136 = vector.load %arg4[%swap3A_133, %swap3A_134, %swap3A_135] : memref<8x1000x128xf32, #tpu.memory_space<vmem>>, vector<1x1000x128xf32>
    %swap3A_137 = vector.shape_cast %swap3A_136 : vector<1x1000x128xf32> to vector<1000x128xf32>
    %swap3A_138 = vector.shape_cast %add3A_132 : vector<1000x128xf32> to vector<1x1000x128xf32>
    tpu.vector_store %arg4[%swap3A_133, %swap3A_134, %swap3A_135], %swap3A_138 {strides = array<i32>} : memref<8x1000x128xf32, #tpu.memory_space<vmem>>, vector<1x1000x128xf32>,
    %get3A_139 = arith.constant 7 : index
    %get3A_140 = arith.constant 0 : index
    %get3A_141 = arith.constant 0 : index
    %get3A_142 = vector.load %arg2[%get3A_139, %get3A_140, %get3A_141] : memref<8x128x128xf32, #tpu.memory_space<vmem>>, vector<1x128x128xf32>
    %get3A_143 = vector.shape_cast %get3A_142 : vector<1x128x128xf32> to vector<128x128xf32>
    %dot_general3A_144 = arith.constant dense<0.000000e+00> : vector<1000x128xf32>
    %dot_general3A_145 = tpu.matmul %get3A_1, %get3A_143, %dot_general3A_144 {dimension_numbers = #tpu.dot_dimension_numbers<[1], [1], [0], [0], [0, 0, 1, 0], [], []>, transpose_lhs_hint = false} : vector<1000x128xf32>, vector<128x128xf32>, vector<1000x128xf32> -> vector<1000x128xf32>
    %get3A_146 = arith.constant 7 : index
    %get3A_147 = arith.constant 0 : index
    %get3A_148 = arith.constant 0 : index
    %get3A_149 = vector.load %arg3[%get3A_146, %get3A_147, %get3A_148] : memref<8x1x128xf32, #tpu.memory_space<vmem>>, vector<1x1x128xf32>
    %get3A_150 = vector.shape_cast %get3A_149 : vector<1x1x128xf32> to vector<1x128xf32>
    %add3A_151 = vector.broadcast %get3A_150 : vector<1x128xf32> to vector<1000x128xf32>
    %add3A_152 = arith.addf %dot_general3A_145, %add3A_151 : vector<1000x128xf32>
    %swap3A_153 = arith.constant 7 : index
    %swap3A_154 = arith.constant 0 : index
    %swap3A_155 = arith.constant 0 : index
    %swap3A_156 = vector.load %arg4[%swap3A_153, %swap3A_154, %swap3A_155] : memref<8x1000x128xf32, #tpu.memory_space<vmem>>, vector<1x1000x128xf32>
    %swap3A_157 = vector.shape_cast %swap3A_156 : vector<1x1000x128xf32> to vector<1000x128xf32>
    %swap3A_158 = vector.shape_cast %add3A_152 : vector<1000x128xf32> to vector<1x1000x128xf32>
    tpu.vector_store %arg4[%swap3A_153, %swap3A_154, %swap3A_155], %swap3A_158 {strides = array<i32>} : memref<8x1000x128xf32, #tpu.memory_space<vmem>>, vector<1x1000x128xf32>,
    return
  }
  func.func @transform_0(%arg0: i32) -> (i32, i32) {
    %c0_i32 = arith.constant 0 : i32
    %c0_i32_0 = arith.constant 0 : i32
    return %arg0, %c0_i32 : i32, i32
  }
  func.func @transform_1(%arg0: i32) -> (i32, i32, i32) {
    %c0_i32 = arith.constant 0 : i32
    %c0_i32_0 = arith.constant 0 : i32
    %c0_i32_1 = arith.constant 0 : i32
    %c0_i32_2 = arith.constant 0 : i32
    return %c0_i32, %c0_i32_0, %c0_i32_1 : i32, i32, i32
  }
  func.func @transform_2(%arg0: i32) -> (i32, i32, i32) {
    %c0_i32 = arith.constant 0 : i32
    %c0_i32_0 = arith.constant 0 : i32
    %c0_i32_1 = arith.constant 0 : i32
    %c0_i32_2 = arith.constant 0 : i32
    return %c0_i32, %c0_i32_0, %c0_i32_1 : i32, i32, i32
  }
  func.func @transform_3(%arg0: i32) -> (i32, i32, i32) {
    %c0_i32 = arith.constant 0 : i32
    %c0_i32_0 = arith.constant 0 : i32
    %c0_i32_1 = arith.constant 0 : i32
    return %c0_i32, %arg0, %c0_i32_0 : i32, i32, i32
  }
}

module attributes {stable_mosaic.version = 14 : i64} {
  func.func @_final_kernel(%arg0: i32, %arg1: memref<1000x128xf32, #tpu.memory_space<vmem>>, %arg2: memref<128x128xf32, #tpu.memory_space<vmem>>, %arg3: memref<1x128xf32, #tpu.memory_space<vmem>>, %arg4: memref<2x1000x128xf32, #tpu.memory_space<vmem>>, %arg5: memref<1000x128xf32, #tpu.memory_space<vmem>>) attributes {dimension_semantics = [#tpu.dimension_semantics<arbitrary>], iteration_bounds = array<i64: 10>, scalar_prefetch = 0 : i64, scratch_operands = 0 : i64, tpu.core_type = #tpu.core_type<tc>, window_params = [{transform_indices = @transform_0, window_bounds = array<i64: 1000, 128>}, {pipeline_mode = #tpu.pipeline_mode<synchronous>, transform_indices = @transform_1, window_bounds = array<i64: 128, 128>}, {pipeline_mode = #tpu.pipeline_mode<synchronous>, transform_indices = @transform_2, window_bounds = array<i64: 1, 128>}, {transform_indices = @transform_3, window_bounds = array<i64: 2, 1000, 128>}, {transform_indices = @transform_4, window_bounds = array<i64: 1000, 128>}]} {
    %get3A = arith.constant 0 : index
    %get3A_0 = arith.constant 0 : index
    %get3A_1 = vector.load %arg1[%get3A, %get3A_0] : memref<1000x128xf32, #tpu.memory_space<vmem>>, vector<1000x128xf32>
    %get3A_2 = arith.constant 0 : index
    %get3A_3 = arith.constant 0 : index
    %get3A_4 = vector.load %arg2[%get3A_2, %get3A_3] : memref<128x128xf32, #tpu.memory_space<vmem>>, vector<128x128xf32>
    %dot_general3A = arith.constant dense<0.000000e+00> : vector<1000x128xf32>
    %dot_general3A_5 = tpu.matmul %get3A_1, %get3A_4, %dot_general3A {dimension_numbers = #tpu.dot_dimension_numbers<[1], [1], [0], [0], [0, 0, 1, 0], [], []>, transpose_lhs_hint = false} : vector<1000x128xf32>, vector<128x128xf32>, vector<1000x128xf32> -> vector<1000x128xf32>
    %get3A_6 = arith.constant 0 : index
    %get3A_7 = arith.constant 0 : index
    %get3A_8 = vector.load %arg3[%get3A_6, %get3A_7] : memref<1x128xf32, #tpu.memory_space<vmem>>, vector<1x128xf32>
    %add3A = vector.broadcast %get3A_8 : vector<1x128xf32> to vector<1000x128xf32>
    %add3A_9 = arith.addf %dot_general3A_5, %add3A : vector<1000x128xf32>
    %get3A_10 = arith.constant 0 : index
    %get3A_11 = arith.constant 0 : index
    %get3A_12 = arith.constant 0 : index
    %get3A_13 = vector.load %arg4[%get3A_10, %get3A_11, %get3A_12] : memref<2x1000x128xf32, #tpu.memory_space<vmem>>, vector<1x1000x128xf32>
    %get3A_14 = vector.shape_cast %get3A_13 : vector<1x1000x128xf32> to vector<1000x128xf32>
    %add3A_15 = arith.addf %add3A_9, %get3A_14 : vector<1000x128xf32>
    %get3A_16 = arith.constant 1 : index
    %get3A_17 = arith.constant 0 : index
    %get3A_18 = arith.constant 0 : index
    %get3A_19 = vector.load %arg4[%get3A_16, %get3A_17, %get3A_18] : memref<2x1000x128xf32, #tpu.memory_space<vmem>>, vector<1x1000x128xf32>
    %get3A_20 = vector.shape_cast %get3A_19 : vector<1x1000x128xf32> to vector<1000x128xf32>
    %add3A_21 = arith.addf %add3A_15, %get3A_20 : vector<1000x128xf32>
    %max3A = arith.constant 0.000000e+00 : f32
    %max3A_22 = vector.broadcast %max3A : f32 to vector<1000x128xf32>
    %max3A_23 = arith.maximumf %add3A_21, %max3A_22 : vector<1000x128xf32>
    %swap3A = arith.constant 0 : index
    %swap3A_24 = arith.constant 0 : index
    %swap3A_25 = vector.load %arg5[%swap3A, %swap3A_24] : memref<1000x128xf32, #tpu.memory_space<vmem>>, vector<1000x128xf32>
    tpu.vector_store %arg5[%swap3A, %swap3A_24], %max3A_23 {strides = array<i32>} : memref<1000x128xf32, #tpu.memory_space<vmem>>, vector<1000x128xf32>,
    return
  }
  func.func @transform_0(%arg0: i32) -> (i32, i32) {
    %c0_i32 = arith.constant 0 : i32
    %c0_i32_0 = arith.constant 0 : i32
    return %arg0, %c0_i32 : i32, i32
  }
  func.func @transform_1(%arg0: i32) -> (i32, i32) {
    %c0_i32 = arith.constant 0 : i32
    %c0_i32_0 = arith.constant 0 : i32
    %c0_i32_1 = arith.constant 0 : i32
    return %c0_i32, %c0_i32_0 : i32, i32
  }
  func.func @transform_2(%arg0: i32) -> (i32, i32) {
    %c0_i32 = arith.constant 0 : i32
    %c0_i32_0 = arith.constant 0 : i32
    %c0_i32_1 = arith.constant 0 : i32
    return %c0_i32, %c0_i32_0 : i32, i32
  }
  func.func @transform_3(%arg0: i32) -> (i32, i32, i32) {
    %c0_i32 = arith.constant 0 : i32
    %c0_i32_0 = arith.constant 0 : i32
    %c0_i32_1 = arith.constant 0 : i32
    return %c0_i32, %arg0, %c0_i32_0 : i32, i32, i32
  }
  func.func @transform_4(%arg0: i32) -> (i32, i32) {
    %c0_i32 = arith.constant 0 : i32
    %c0_i32_0 = arith.constant 0 : i32
    return %arg0, %c0_i32 : i32, i32
  }
}

</mosaic_0001>

<sc_bundles>
// kernel: kernel.6.cloned.1.call-start
scs
__scs_entry_jumppad:
0x0: {  	(pc) =	sbr.rel $0x88, $3  }
0x1: {  	(tag) =	ssettag $0x0;
	lr =	simm.s32 $0x1  }
0x2: {  	[smem:$0x3F99] =	sst lr;
	_ =	strace $0xD0000000  }
0x3: {  	_ = 	snop  }
0x4: {  	_ = 	snop  }
0x5: {  	_ = 	snop  }
0x6: {  	_ = 	snop  }
0x7: {  	_ = 	snop  }
__scs_overlays_trampoline_lowered:
0x8: {  	[smem:$0x3FA8] =	sst s0  }
0x9: {  	[smem:$0x3FA9] =	sst s1  }
0xa: {  	[smem:$0x3FAA] =	sst s2  }
0xb: {  	[smem:$0x3FAB] =	sst s3  }
0xc: {  	[smem:$0x3FAC] =	sst s4  }
0xd: {  	[smem:$0x3FAD] =	sst s5  }
0xe: {  	[smem:$0x3FAE] =	sst s6  }
0xf: {  	[smem:$0x3FAF] =	sst s7  }
0x10: {  	[smem:$0x3FB0] =	sst s8  }
0x11: {  	[smem:$0x3FB1] =	sst s9;
	s0 =	simm.s32 @!p0 $0x0  }
0x12: {  	s1 =	sld [smem:$0x3F97];
	s0 =	simm.s32 @p0 $0x1  }
0x13: {  	[smem:$0x3FB2] =	sst s0;
	s0 =	simm.s32 @!p1 $0x0  }
0x14: {  	s2 =	sld [smem:$0x3F96];
	s0 =	simm.s32 @p1 $0x1  }
0x15: {  	[smem:$0x3FB3] =	sst s0;
	s0 =	simm.s32 @!p2 $0x0  }
0x16: {  	s3 =	sld [smem:$0x3FDB];
	s0 =	simm.s32 @p2 $0x1  }
0x17: {  	s4 =	simm.s32 $0x1BF5;
	[smem:$0x3FB5] =	sst s0  }
0x18: {  	s0 =	sld [smem:$0x3F98];
	_ =	swait.ge [sflag:s4], $0x0  }
0x19: {  	s7 =	sld [smem:$0x3F99]  }
0x1a: {  	s8 =	sadd.s32 $0xFFFFE003, lr  }
0x1b: {  	s9 =	sadd.s32 $0xFFFFFEF7, lr;
	s5 =	simm.s32 $0xFFFFFFFF;
	p2 =	slt.u32 s8, $0xFFFFF086  }
0x1c: {  	p1 =	slt.u32 s9, $0xF7A;
	s5 =	simm.s32 @!p2 $0x0  }
0x1d: {  	s5 =	simm.s32 @p1 $0x1;
	p0 =	seq.s32 s7, s2  }
0x1e: {  	s7 =	smul.u32 @!p0 $0xF7A, s2;
	p2 =	seq.s32 @!p0 s5, $0x0  }
0x1f: {  	s9 =	smul.u32 $0xF7A, s1;
	s8 =	simm.s32 @!p0 $0x1BF5;
	p2 =	por !p2, p0  }
0x20: {  	[sflag:s8] =	ssyncset.s32 @!p0 $0xFFFFF086;
	s6 =	sadd.s32 @!p0 s3, s7;
	s7 =	simm.s32 @!p0 $0x108  }
0x21: {  	s3 =	sadd.s32 s3, s9;
	s6 =	sadd.s32 @!p0 $0x88, s6;
	s7 =	simm.s32 @p2 $0x1082  }
0x22: {  	[simem:s7], [sflag:s8] =	dma.local @!p0 [hbm:s6], $0xF7A  }
0x23: {  	s9 =	sor.u32 $0xD0000000, s2;
	s6 =	simm.s32 $0x108;
	_ =	swait.ge @!p0 [sflag:s8], $0x0  }
0x24: {  	s3 =	sadd.s32 $0x88, s3;
	s6 =	simm.s32 @!p1 $0x1082;
	[sflag:s4] =	ssyncset.s32 $0xFFFFF086  }
0x25: {  	[simem:s6], [sflag:s4] =	dma.local [hbm:s3], $0xF7A  }
0x26: {  	[smem:$0x3F99] =	sst s1;
	(tag) =	ssettag s2;
	_ =	strace s9  }
0x27: {  	s1 =	sld [smem:$0x3FA9]  }
0x28: {  	s2 =	sld [smem:$0x3FAA]  }
0x29: {  	s4 =	sld [smem:$0x3FAC]  }
0x2a: {  	p0 =	seq.s32 s5, $0x0;
	s5 =	sld [smem:$0x3FAD]  }
0x2b: {  	s6 =	sld [smem:$0x3FAE]  }
0x2c: {  	s7 =	sld [smem:$0x3FAF]  }
0x2d: {  	s3 =	simm.s32 $0x108;
	s8 =	sld [smem:$0x3FB0]  }
0x2e: {  	s3 =	simm.s32 @!p0 $0x1082;
	s9 =	sld [smem:$0x3FB1]  }
0x2f: {  	lr =	sadd.s32 s0, s3;
	s0 =	sld [smem:$0x3FA8]  }
0x30: {  	s3 =	sld [smem:$0x3FAB]  }
0x31: {  	[smem:$0x3FB4] =	sst s10  }
0x32: {  	s10 =	sld [smem:$0x3FB2];
	_ =	sdelay $0x3  }
0x33: {  	p0 =	seq.s32 s10, $0x1;
	s10 =	sld [smem:$0x3FB4];
	_ =	sdelay $0x3  }
0x34: {  	[smem:$0x3FB4] =	sst s10  }
0x35: {  	s10 =	sld [smem:$0x3FB3];
	_ =	sdelay $0x3  }
0x36: {  	p1 =	seq.s32 s10, $0x1;
	s10 =	sld [smem:$0x3FB4];
	_ =	sdelay $0x3  }
0x37: {  	[smem:$0x3FB4] =	sst s10  }
0x38: {  	s10 =	sld [smem:$0x3FB5]  }
0x39: {  	_ = 	snop;
	(pc) =	sbr.ind lr, $3  }
0x3a: {  	_ = 	snop  }
0x3b: {  	_ = 	snop  }
0x3c: {  	p2 =	seq.s32 s10, $0x1;
	s10 =	sld [smem:$0x3FB4]  }
0x3d: {  	_ =	shalt  }
0x3e: {  	_ =	shalt  }
0x3f: {  	_ =	shalt  }
0x40: {  	_ =	shalt  }
0x41: {  	_ =	shalt  }
0x42: {  	_ =	shalt  }
0x43: {  	_ =	shalt  }
0x44: {  	_ =	shalt  }
0x45: {  	_ =	shalt  }
0x46: {  	_ =	shalt  }
0x47: {  	_ =	shalt  }
0x48: {  	_ =	shalt  }
0x49: {  	_ =	shalt  }
0x4a: {  	_ =	shalt  }
0x4b: {  	_ =	shalt  }
0x4c: {  	_ =	shalt  }
0x4d: {  	_ =	shalt  }
0x4e: {  	_ =	shalt  }
0x4f: {  	_ =	shalt  }
0x50: {  	_ =	shalt  }
0x51: {  	_ =	shalt  }
0x52: {  	_ =	shalt  }
0x53: {  	_ =	shalt  }
0x54: {  	_ =	shalt  }
0x55: {  	_ =	shalt  }
0x56: {  	_ =	shalt  }
0x57: {  	_ =	shalt  }
0x58: {  	_ =	shalt  }
0x59: {  	_ =	shalt  }
0x5a: {  	_ =	shalt  }
0x5b: {  	_ =	shalt  }
0x5c: {  	_ =	shalt  }
0x5d: {  	_ =	shalt  }
0x5e: {  	_ =	shalt  }
0x5f: {  	_ =	shalt  }
0x60: {  	_ =	shalt  }
0x61: {  	_ =	shalt  }
0x62: {  	_ =	shalt  }
0x63: {  	_ =	shalt  }
0x64: {  	_ =	shalt  }
0x65: {  	_ =	shalt  }
0x66: {  	_ =	shalt  }
0x67: {  	_ =	shalt  }
0x68: {  	_ =	shalt  }
0x69: {  	_ =	shalt  }
0x6a: {  	_ =	shalt  }
0x6b: {  	_ =	shalt  }
0x6c: {  	_ =	shalt  }
0x6d: {  	_ =	shalt  }
0x6e: {  	_ =	shalt  }
0x6f: {  	_ =	shalt  }
0x70: {  	_ =	shalt  }
0x71: {  	_ =	shalt  }
0x72: {  	_ =	shalt  }
0x73: {  	_ =	shalt  }
0x74: {  	_ =	shalt  }
0x75: {  	_ =	shalt  }
0x76: {  	_ =	shalt  }
0x77: {  	_ =	shalt  }
0x78: {  	_ =	shalt  }
0x79: {  	_ =	shalt  }
0x7a: {  	_ =	shalt  }
0x7b: {  	_ =	shalt  }
0x7c: {  	_ =	shalt  }
0x7d: {  	_ =	shalt  }
0x7e: {  	_ =	shalt  }
0x7f: {  	_ =	shalt  }
0x80: {  	_ =	shalt  }
0x81: {  	_ =	shalt  }
0x82: {  	_ =	shalt  }
0x83: {  	_ =	shalt  }
0x84: {  	_ =	shalt  }
0x85: {  	_ =	shalt  }
0x86: {  	_ =	shalt  }
0x87: {  	_ =	shalt  }
.Lfunc_end0:
.L_simem_size_0:
called_computation_lowered:
.L_overlay_start_0:
0x88: {  	s2 =	sld [smem:$0x3FD9]  }
0x89: {  	s3 =	sld [smem:$0x3FFE];
	_ =	sdelay $0x1  }
0x8a: {  	s1 =	srdreg.scid  }
0x8b: {  	s0 =	sand.u32 $0x1, s1  }
0x8c: {  	s17 =	sshll.u32 s0, $0xA;
	s2 =	sadd.s32 s3, s2  }
0x8d: {  	s2 =	sadd.s32 s2, s17  }
0x8e: {  	[smem:$0x3FC0] =	sst s2  }
0x8f: {  	_ = 	snop  }
0x90: {  	s2 =	sld [smem:$0x3FD0];
	(tm) =	ssettm $0x1  }
0x91: {  	s18 =	sld [smem:$0x3FFB];
	_ =	sdelay $0x3  }
0x92: {  	_ =	strace s18  }
0x93: {  	s3 =	sld [smem:$0x3FFC];
	_ =	sdelay $0x3  }
0x94: {  	_ =	strace s3  }
0x95: {  	s3 =	sld [smem:$0x3FFD];
	_ =	sdelay $0x3  }
0x96: {  	_ =	strace s3  }
0x97: {  	_ =	strace $0x8FFFFFFF  }
0x98: {  	s19 =	sld [smem:$0x3FDB];
	_ =	sdelay $0x1  }
0x99: {  	s4 =	simm.s32 $_scs_section_size  }
0x9a: {  	s5 =	simm.s32 $_size__tile_overlayer_lowered;
	s6 =	simm.s32 $_tile_overlayer_lowered  }
0x9b: {  	s22 =	simm.s32 $0x1BFF;
	s21 =	sshll.u32 s6, $0x1;
	s3 =	sadd.s32 s4, s19  }
0x9c: {  	s7 =	simm.s32 $0x0;
	s20 =	sshll.u32 s5, $0x1;
	s5 =	sadd.s32 s21, s3  }
0x9d: {  	[timem:s7], [sflag:s22] =	dma.local [hbm:s5], s20  }
0x9e: {  	_ =	swait.ge [sflag:s22], s20  }
0x9f: {  	s4 =	ssub.s32 $0x0, s20;
	[sflag:s22] =	ssyncset.done $0x0  }
0xa0: {  	[sflag:s22] =	ssyncadd.s32 s4;
	_ =	sdelay $0x1  }
0xa1: {  	s23 =	simm.s32 $0x1B8B  }
0xa2: {  	_ =	swait.ge [sflag:s23], $0x1  }
0xa3: {  	[sflag:s23] =	ssyncset.done $0x0  }
0xa4: {  	s25 =	simm.s32 $0x1B8E;
	s24 =	sld [smem:$0x3FFE];
	[sflag:s23] =	ssyncadd.s32 $0xFFFFFFFF  }
0xa5: {  	s26 =	simm.s32 $execute0_lowered;
	[smem:$0x3FD2] =	sst s25  }
0xa6: {  	s5 =	sshll.u32 s26, $0x1;
	_ =	strace $0x80000046;
	[dreg:$0x1] =	wrdreg $0xFFFFFFFF  }
0xa7: {  	s28 =	simm.s32 $_size_execute0_lowered;
	s3 =	sadd.s32 s3, s5;
	[dreg:$0x0] =	wrdreg $0x0  }
0xa8: {  	s5 =	sshll.u32 s28, $0x1;
	[dreg:$0x2] =	wrdreg s3  }
0xa9: {  	[dreg:$0x3] =	wrdreg s5  }
0xaa: {  	[dreg:$0x4] =	wrdreg $0xC0  }
0xab: {  	_ =	task [dreg:s7], $0x5FFFF  }
0xac: {  	[dreg:$0x1] =	wrdreg $0xFFFFFFFF  }
0xad: {  	[dreg:$0x0] =	wrdreg $0x60  }
0xae: {  	[dreg:$0x2] =	wrdreg s24  }
0xaf: {  	[dreg:$0x3] =	wrdreg s2  }
0xb0: {  	[dreg:$0x4] =	wrdreg $0xA8000  }
0xb1: {  	[dreg:$0x5] =	wrdreg $0x9  }
0xb2: {  	_ =	task.clear_ibuf [dreg:s7], $0x6FFFF;
	_ =	strace $0x90000046  }
0xb3: {  	s29 =	simm.s32 $0x9;
	_ =	strace $0x80000048  }
0xb4: {  	_ =	swait.ge [sflag:s29], $0x1  }
0xb5: {  	[sflag:s29] =	ssyncadd.s32 $0xFFFFFFFF  }
0xb6: {  	_ =	strace $0x90000048  }
0xb7: {  	_ =	sfence  }
0xb8: {  	s30 =	sld [smem:$0x0];
	_ =	sdelay $0x2  }
0xb9: {  	s31 =	sshll.u32 s1, $0xD;
	s1 =	sshrl.u32 s1, $0x2  }
0xba: {  	s3 =	sand.u32 $0x4000, s31;
	s1 =	sadd.s32 s1, s30  }
0xbb: {  	s0 =	sor.u32 s3, s0;
	s1 =	sshll.u32 s1, $0x11  }
0xbc: {  	s0 =	sor.u32 s1, s0  }
0xbd: {  	s0 =	sadd.s32 $0x8F2B, s0  }
0xbe: {  	[sflag:s0] =	ssyncadd.remote.s32 $0x1  }
0xbf: {  	_ =	sfence.sel $0xFFFF  }
0xc0: {  	[dreg:$0x0] =	wrdreg $0xFFFFFFFF;
	(pc) =	sbr.abs _section_cstart, $3  }
0xc1: {  	[dreg:$0x1] =	wrdreg $0xFFFFFFFF  }
0xc2: {  	_ =	task.clear_ibuf [dreg:s7], $0x2FFFF;
	_ =	strace $0x9FFFFFFF  }
0xc3: {  	(tm) =	ssettm $0x7FFFFFFF  }
tec
execute0_lowered:
.L_overlay_start_1:
0x0: {  	(tag) =	ssettag $0x1  }
0x1: {  	s8 =	rddreg [dreg:$0x0]  }
0x2: {  	s7 =	rddreg [dreg:$0x1]  }
0x3: {  	s1 =	rddreg [dreg:$0x2];
	s2 =	srdreg.scid  }
0x4: {  	s0 =	rddreg [dreg:$0x3];
	s9 =	sand.u32 $0x1, s2  }
0x5: {  	s3 =	simm.s32 $0x0;
	s2 =	stileid.u32;
	s6 =	smul.u32 $0x140000, s9  }
0x6: {  	s16 =	simm.s32 $0x1;
	s17 =	simm.s32 $0x0;
	s10 =	smul.u32 $0x14000, s2  }
0x7: {  	[smem:$0x7FF] =	sst s3;
	s5 =	sadd.s32 $0x145800, s8;
	s11 =	smul.u32 $0x34000, s9  }
0x8: {  	s4 =	sadd.s32 $0xD000, s8;
	_ =	strace $0x80000047;
	s12 =	smul.u32 $0x3400, s2  }
0x9: {  	s28 =	ssub.s32 $0x2, s9;
	s14 =	smul.u32 $0x50000, s2;
	s31 =	sshll.u32 s2, $0x6  }
0xa: {  	p0 =	seq.s32 s9, $0x0;
	s9 =	simm.s32 $0x36;
	s13 =	sshrl.u32 s28, $0x1  }
0xb: {  	s9 =	simm.s32 @!p0 $0x68;
	s6 =	sadd.s32 s10, s6;
	s13 =	ssub.s32 s28, s13  }
0xc: {  	s29 =	sadd.s32 s12, s11;
	s30 =	sshrl.u32 s14, $0x2;
	s6 =	sshrl.u32 s6, $0x3  }
0xd: {  	s12 =	sshrl.u32 s29, $0x3;
	s14 =	sadd.s32 s30, s1;
	s11 =	smax.u32 s13, $0x1  }
0xe: {  	s13 =	simm.s32 $0x2;
	s15 =	sadd.s32 s6, s8;
	s6 =	sor.u32 $0x1C02, s31  }
0xf: {  	s7 =	sadd.s32 s7, s12;
	s8 =	sadd.s32 s8, s12;
	s12 =	sshrl.u32 s14, $0x3  }
0x10: {  	s14 =	simm.s32 $0x80;
	s10 =	sadd.s32 $0x148000, s15;
	s15 =	simm.s32 $0x6800  }
.LBB2_1:
0x11: {  	[spmem:s12], [sflag:s6] =	dma.local [hbm:s5], $0x2800  }
0x12: {  	_ =	swait.ge [sflag:s13], $0x2800  }
0x13: {  	[sflag:s13] =	ssyncset.done $0x0  }
0x14: {  	[sflag:s13] =	ssyncadd.s32 $0xFFFFD800  }
0x15: {  	[bflag:$0x0] =	sbarrier.arrive $0xFFFF  }
0x16: {  	[tilespmem:s3], [sflag:$0x2] =	stream.linear.gather [hbm4b:s7+s3], $0x3400, $0x38;
	[tilespmem:$0x1E800] =	vst v63  }
0x17: {  	_ =	swait.ge [sflag:s13], $0x3400  }
0x18: {  	[sflag:s13] =	ssyncset.done $0x0  }
0x19: {  	s18 =	simm.s32 $0x3400;
	[sflag:s13] =	ssyncadd.s32 $0xFFFFCC00  }
0x1a: {  	[tilespmem:s18], [sflag:$0x2] =	stream.linear.gather [hbm4b:s8+s3], $0x3400, $0x38;
	[tilespmem:$0x1E800] =	vst v63  }
0x1b: {  	_ =	swait.ge [sflag:s13], $0x3400  }
0x1c: {  	[sflag:s13] =	ssyncset.done $0x0  }
0x1d: {  	[sflag:s13] =	ssyncadd.s32 $0xFFFFCC00  }
0x1e: {  	[tilespmem:s15], [sflag:$0x1] =	stream.indirect.gather [hbm4b:s4+s14], $0x80, s3, s14, $0xb8;
	[tilespmem:$0x1E800] =	vst v63  }
0x1f: {  	p0 =	sne.s32 s9, $0x1;
	_ =	swait.ge [sflag:s16], $0x4000  }
.Ltmp0:
0x20: {  	[sflag:s16] =	ssyncset.done $0x0;
	(pc) =	sbr.rel @!p0 .LBB2_3-.Ltmp0, $4  }
0x21: {  	[sflag:s16] =	ssyncadd.s32 $0xFFFFC000  }
0x22: {  	[spmem:s1] =	stream.indirect.scatter.add.f32 [tilespmem:s15], [sflag:$0x2], $0x80, s18, s14, $0xb8;
	[tilespmem:$0x1E800] =	vst v63  }
0x23: {  	_ =	swait.ge [sflag:s13], $0x4000  }
0x24: {  	s19 =	sadd.s32 $0xFFFFFFFF, s9;
	s20 =	simm.s32 $0x0;
	[sflag:s13] =	ssyncset.done $0x0  }
.LBB2_2:
0x25: {  	[sflag:s13] =	ssyncadd.s32 $0xFFFFC000;
	s20 =	sadd.s32 $0x80, s20;
	s18 =	sadd.s32 $0x80, s18  }
0x26: {  	[tilespmem:s15], [sflag:$0x1] =	stream.indirect.gather [hbm4b:s4+s14], $0x80, s20, s14, $0xb8;
	[tilespmem:$0x1E800] =	vst v63  }
0x27: {  	p0 =	sne.s32 s19, $0x1;
	s19 =	sadd.s32 $0xFFFFFFFF, s19;
	_ =	swait.ge [sflag:s16], $0x4000  }
.Ltmp1:
0x28: {  	[sflag:s16] =	ssyncset.done $0x0;
	(pc) =	sbr.rel @p0 .LBB2_2-.Ltmp1, $4  }
0x29: {  	[sflag:s16] =	ssyncadd.s32 $0xFFFFC000  }
0x2a: {  	[spmem:s1] =	stream.indirect.scatter.add.f32 [tilespmem:s15], [sflag:$0x2], $0x80, s18, s14, $0xb8;
	[tilespmem:$0x1E800] =	vst v63  }
0x2b: {  	_ =	swait.ge [sflag:s13], $0x4000  }
0x2c: {  	[sflag:s13] =	ssyncset.done $0x0  }
.LBB2_3:
0x2d: {  	s17 =	sadd.s32 $0x1, s17  }
0x2e: {  	[sflag:s13] =	ssyncadd.s32 $0xFFFFC000;
	p0 =	sne.s32 s17, s11  }
.Ltmp2:
0x2f: {  	[bflag:$0x0] =	sbarrier.arrive $0xFFFF;
	(pc) =	sbr.rel @p0 .LBB2_1-.Ltmp2, $4  }
0x30: {  	[hbm:s10], [sflag:s6] =	dma.local [spmem:s12], $0x2800  }
0x31: {  	_ =	swait.ge [sflag:s13], $0x2800  }
0x32: {  	[sflag:s13] =	ssyncset.done $0x0  }
0x33: {  	[sflag:s13] =	ssyncadd.s32 $0xFFFFD800  }
0x34: {  	_ =	sfence.sel $0x180000  }
0x35: {  	[bflag:$0x0] =	sbarrier.arrive $0xFFFF  }
0x36: {  	p0 =	sne.s32 s2, $0x0;
	_ =	strace $0x90000047  }
0x37: {  	s0 =	sadd.s32 @!p0 $0x100000, s0;
	[bflag:$0x2] =	sbarrier.arrive $0xFFFF  }
0x38: {  	[sflag:s0] =	ssyncadd.tile.s32 @!p0 $0x1;
	_ =	shalt  }
.Lfunc_end2:
_tile_overlayer_lowered:
.L_overlay_start_2:
0x39: {  	(tag) =	ssettag $0x2  }
0x3a: {  	s0 =	rddreg [dreg:$0x0];
	s2 =	stileid.u32  }
0x3b: {  	s1 =	rddreg [dreg:$0x1];
	p0 =	sne.s32 s2, $0x0  }
0x3c: {  	s3 =	rddreg [dreg:$0x2];
	[bflag:$0x3] =	sbarrier.arrive $0xFFFF;
	s2 =	simm.s32 @!p0 $0x1C02  }
0x3d: {  	[timem:s3], [sflag:s2] =	dma.local @!p0 [hbm:s0], s1  }
0x3e: {  	s0 =	simm.s32 @!p0 $0x2  }
0x3f: {  	_ =	swait.ge @!p0 [sflag:s0], s1  }
0x40: {  	s1 =	ssub.s32 @!p0 $0x0, s1;
	[sflag:s0] =	ssyncset.done @!p0 $0x0  }
0x41: {  	[sflag:s0] =	ssyncadd.s32 @!p0 s1  }
0x42: {  	[bflag:$0x3] =	sbarrier.arrive $0xFFFF  }
0x43: {  	_ =	shalt  }

</sc_bundles>
